<compile_context>
chip_gen: v7x
topology: tpu7x:2x2x1
jax: 0.10.2.dev20260603
libtpu: 0.0.44.dev20260713+nightly
codegen_flags: <defaults>
</compile_context>

<pallas_src>
import functools

import jax
import jax.numpy as jnp
from jax import lax
from jax.experimental import pallas as pl
from jax.experimental.pallas import tpu as pltpu
from jax.experimental.pallas import tpu_sc as plsc

B = 16
TOTAL = 32768
CLS_ID = 101
SEP_ID = 102
PADLEN = 4098
MAXTOK = PADLEN - 2

CW = 128
FRONT = 8
SW = CW + 16
WBUF = 176

_mesh = plsc.VectorSubcoreMesh(core_axis_name="c", subcore_axis_name="s")


@functools.partial(
    pl.kernel,
    out_type=jax.ShapeDtypeStruct((B, PADLEN), jnp.int32),
    mesh=_mesh,
    scratch_types=[
        pltpu.VMEM((32,), jnp.int32),
        pltpu.VMEM((B * WBUF,), jnp.int32),
        pltpu.VMEM((B, CW), jnp.int32),
        pltpu.SemaphoreType.DMA,
    ],
)
def _pad_tiles(cu_hbm, flat_hbm, zeros_hbm, out_hbm, cu_v, sbuf, tv, sem):
    del zeros_hbm
    c = lax.axis_index("c")
    s = lax.axis_index("s")
    w = s * 2 + c
    cg0 = pl.multiple_of(w * CW, CW)

    pltpu.sync_copy(cu_hbm, cu_v.at[pl.ds(0, B + 1)])
    lane = lax.iota(jnp.int32, 16)

    def window(i):
        start_i = cu_v[pl.ds(i, 16)][0]
        src_lo = start_i + cg0 - 1
        abase = jnp.clip((jnp.maximum(src_lo, 0) // 8) * 8, 0, TOTAL - SW)
        return src_lo, pl.multiple_of(abase, 8)

    def fire(i, carry):
        _, abase = window(i)
        dst = pl.multiple_of(i * WBUF + FRONT, 8)
        pltpu.async_copy(flat_hbm.at[pl.ds(abase, SW)],
                         sbuf.at[pl.ds(dst, SW)], sem)
        return carry

    lax.fori_loop(0, B, fire, 0)

    pltpu.make_async_copy(flat_hbm.at[pl.ds(0, B * SW)],
                          sbuf.at[pl.ds(0, B * SW)], sem).wait()

    def rows(lo, hi):
        lax.fori_loop(lo, hi, row, 0)

    def row(i, carry):
        start_i = cu_v[pl.ds(i, 16)][0]
        nxt_i = cu_v[pl.ds(i + 1, 16)][0]
        clen_i = jnp.minimum(nxt_i - start_i, MAXTOK)
        src_lo, abase = window(i)
        shift = src_lo - abase + FRONT

        def vec(j, carry2):
            col = cg0 + j * 16 + lane
            base = i * WBUF + jnp.clip(shift + j * 16, 0, WBUF - 16)
            tok = sbuf[pl.ds(base, 16)]
            tv[i, pl.ds(j * 16, 16)] = jnp.where(col <= clen_i, tok, jnp.int32(0))
            return carry2

        lax.fori_loop(0, CW // 16, vec, 0)

        sep_l = clen_i + 1 - cg0
        @pl.when((sep_l >= 0) & (sep_l < CW))
        def _():
            jb = (sep_l // 16) * 16
            v = tv[i, pl.ds(jb, 16)]
            tv[i, pl.ds(jb, 16)] = jnp.where(lane == sep_l - jb,
                                             jnp.int32(SEP_ID), v)

        @pl.when(w == 0)
        def _():
            v = tv[i, pl.ds(0, 16)]
            tv[i, pl.ds(0, 16)] = jnp.where(lane == 0, jnp.int32(CLS_ID), v)

        return carry

    rows(0, B)
    pltpu.sync_copy(tv.at[pl.ds(0, 8)], out_hbm.at[pl.ds(0, 8), pl.ds(cg0, CW)])
    pltpu.sync_copy(tv.at[pl.ds(8, 8)], out_hbm.at[pl.ds(8, 8), pl.ds(cg0, CW)])


def kernel(flat_ids, cu_seqlens):
    type_ids = jnp.zeros((B, PADLEN), jnp.int32)
    main = _pad_tiles(cu_seqlens, flat_ids, type_ids)
    starts = cu_seqlens[:B]
    clens = jnp.minimum(cu_seqlens[1:] - cu_seqlens[:-1], MAXTOK)
    tok = flat_ids[jnp.clip(starts + MAXTOK - 1, 0, TOTAL - 1)]
    c0 = jnp.where(clens == MAXTOK, tok,
                   jnp.where(clens == MAXTOK - 1, SEP_ID, 0)).astype(jnp.int32)
    c1 = jnp.where(clens == MAXTOK, SEP_ID, 0).astype(jnp.int32)
    tail = jnp.stack([c0, c1], axis=1)
    padded = lax.dynamic_update_slice(main, tail, (0, MAXTOK))
    return padded, type_ids

# --- scband reference (transcript-rebuilt; emitter-appended) ---
"""Pipeline reference for scband-bert-preprocessing-layer-71708773974277 (READ-ONLY COPY).

The authoritative reference and input builder live on the scoring server;
editing this copy changes nothing except your own understanding.
"""

import jax, jax.numpy as jnp
import numpy as np

B = 16
MAX_SEQLEN = 4096
TOTAL = B * MAX_SEQLEN // 2  # 32768
VOCAB = 30522
CLS_ID = 101
SEP_ID = 102
PADLEN = MAX_SEQLEN + 2  # room for [CLS] ... [SEP]


def setup_inputs(seed: int = 0) -> dict:
    key = jax.random.key(seed)
    k1, k2 = jax.random.split(key)
    flat_ids = jax.random.randint(k1, (TOTAL,), 0, VOCAB, dtype=jnp.int32)
    cuts = jnp.sort(jax.random.randint(k2, (B - 1,), 0, TOTAL, dtype=jnp.int32))
    cu_seqlens = jnp.concatenate([
        jnp.array([0], dtype=jnp.int32),
        cuts,
        jnp.array([TOTAL], dtype=jnp.int32),
    ])
    return {"flat_ids": flat_ids, "cu_seqlens": cu_seqlens}


def reference(flat_ids, cu_seqlens):
    # Models BertPreprocessingLayer.call on pre-tokenized ragged token ids:
    #   ids = concat([cls, ragged_tokens, sep], axis=1).to_tensor(0)
    #   type_ids = zeros_like(ids)
    nb = cu_seqlens.shape[0] - 1
    total = flat_ids.shape[0]
    pos = jnp.arange(total, dtype=jnp.int32)
    # ragged row assignment for each flat token
    row = jnp.searchsorted(cu_seqlens, pos, side='right') - 1
    row = jnp.clip(row, 0, nb - 1)
    col = pos - cu_seqlens[row] + 1  # +1 offset for leading [CLS]
    lens = cu_seqlens[1:] - cu_seqlens[:-1]
    clipped_lens = jnp.minimum(lens, PADLEN - 2)
    # drop tokens that overflow the padded width (truncation)
    col = jnp.where(col <= PADLEN - 2, col, PADLEN)  # PADLEN is out-of-bounds -> dropped
    padded = jnp.zeros((nb, PADLEN), dtype=flat_ids.dtype)
    padded = padded.at[row, col].set(flat_ids, mode='drop')
    # [CLS] at position 0, [SEP] right after the (clipped) sequence
    padded = padded.at[:, 0].set(CLS_ID)
    sep_col = clipped_lens + 1
    padded = padded.at[jnp.arange(nb), sep_col].set(SEP_ID)
    type_ids = jnp.zeros_like(padded)
    return padded, type_ids

if __name__ == "__main__":
    import jax
    _d = setup_inputs()
    print(jax.jit(kernel)(*tuple(_d.values())))

</pallas_src>

<mosaic_0001>
#map = affine_map<(d0, d1) -> (0)>
#map1 = affine_map<(d0, d1) -> (0, 0)>
module attributes {stable_mosaic.version = 14 : i64} {
  func.func @_pad_tiles(%arg0: i32, %arg1: i32, %arg2: memref<17xi32, #tpu.memory_space<hbm>>, %arg3: memref<32768xi32, #tpu.memory_space<hbm>>, %arg4: memref<16x4098xi32, #tpu.memory_space<hbm>>, %arg5: memref<16x4098xi32, #tpu.memory_space<hbm>>, %arg6: memref<32xi32, #tpu.memory_space<vmem>>, %arg7: memref<2816xi32, #tpu.memory_space<vmem>>, %arg8: memref<16x128xi32, #tpu.memory_space<vmem>>, %arg9: memref<!tpu.dma_semaphore, #tpu.memory_space<semaphore_mem>>) attributes {dimension_semantics = [#tpu.dimension_semantics<core_parallel>, #tpu.dimension_semantics<subcore_parallel>], iteration_bounds = array<i64: 2, 16>, scalar_prefetch = 0 : i64, scratch_operands = 4 : i64, tpu.core_type = #tpu.core_type<sc_vector_subcore>, window_params = [{transform_indices = #map}, {transform_indices = #map}, {transform_indices = #map1}, {transform_indices = #map1}]} {
    %mul3A = arith.constant 2 : i32
    %mul3A_0 = arith.muli %arg1, %mul3A : i32
    %add3A = arith.addi %mul3A_0, %arg0 : i32
    %mul3A_1 = arith.constant 128 : i32
    %mul3A_2 = arith.muli %add3A, %mul3A_1 : i32
    %multiple_of3A = tpu.assume_multiple %mul3A_2, 128 : i32
    "tpu.region"() ({
      %run_scoped3A = tpu.sem_alloc : memref<!tpu.dma_semaphore, #tpu.memory_space<semaphore_mem>>
      %dma_start3A = arith.constant 0 : i32
      %dma_start3A_21 = tpu.memref_slice %arg6[%dma_start3A] : memref<32xi32, #tpu.memory_space<vmem>> -> memref<17xi32, #tpu.memory_space<vmem>>
      %dma_start3A_22 = arith.constant 0 : i32
      %dma_start3A_23 = tpu.memref_slice %arg6[%dma_start3A_22] : memref<32xi32, #tpu.memory_space<vmem>> -> memref<17xi32, #tpu.memory_space<vmem>>
      tpu.enqueue_dma source(%arg2 : memref<17xi32, #tpu.memory_space<hbm>>) target(%dma_start3A_23 : memref<17xi32, #tpu.memory_space<vmem>>) target_semaphore(%run_scoped3A : memref<!tpu.dma_semaphore, #tpu.memory_space<semaphore_mem>>)
      %dma_wait3A_24 = arith.constant 0 : i32
      %dma_wait3A_25 = tpu.memref_slice %arg6[%dma_wait3A_24] : memref<32xi32, #tpu.memory_space<vmem>> -> memref<17xi32, #tpu.memory_space<vmem>>
      %dma_wait3A_26 = arith.constant 0 : i32
      %dma_wait3A_27 = tpu.memref_slice %arg6[%dma_wait3A_26] : memref<32xi32, #tpu.memory_space<vmem>> -> memref<17xi32, #tpu.memory_space<vmem>>
      tpu.wait_dma2 semaphore(%run_scoped3A : memref<!tpu.dma_semaphore, #tpu.memory_space<semaphore_mem>>) src(%arg2 : memref<17xi32, #tpu.memory_space<hbm>>) dst(%dma_wait3A_27 : memref<17xi32, #tpu.memory_space<vmem>>)
      tpu.yield
    }) : () -> ()
    %iota3A = tpu.iota {dimensions = array<i32: 0>} : vector<16xi32>
    %scan3A = arith.constant 0 : i32
    %scan3A_3 = arith.constant 0 : i32
    %scan3A_4 = arith.constant 16 : i32
    %scan3A_5 = arith.addi %scan3A_3, %scan3A_4 : i32
    %scan3A_6 = arith.constant 1 : i32
    scf.for %scan3A_21 = %scan3A_3 to %scan3A_5 step %scan3A_6  : i32 {
      %get3A = arith.index_cast %scan3A_21 : i32 to index
      %get3A_22 = tpu.vector_load %arg6[%get3A] {strides = array<i32>} : memref<32xi32, #tpu.memory_space<vmem>>, vector<16xi32>,
      %get3A_23 = vector.shape_cast %get3A_22 : vector<16xi32> to vector<16xi32>
      %slice3A = vector.extract_strided_slice %get3A_23 {offsets = [0], sizes = [1], strides = [1]} : vector<16xi32> to vector<1xi32>
      %squeeze3A = vector.extract %slice3A[0] : i32 from vector<1xi32>
      %add3A_24 = arith.addi %squeeze3A, %multiple_of3A : i32
      %sub3A = arith.constant 1 : i32
      %sub3A_25 = arith.subi %add3A_24, %sub3A : i32
      %max3A = arith.constant 0 : i32
      %max3A_26 = arith.maxsi %sub3A_25, %max3A : i32
      %jit3A = arith.constant 8 : i32
      %div3A = arith.divsi %max3A_26, %jit3A : i32
      %sign3A = arith.constant 0 : i32
      %sign3A_27 = arith.cmpi sgt, %max3A_26, %sign3A : i32
      %sign3A_28 = arith.extui %sign3A_27 : i1 to i32
      %sign3A_29 = arith.constant 0 : i32
      %sign3A_30 = arith.cmpi slt, %max3A_26, %sign3A_29 : i32
      %sign3A_31 = arith.extui %sign3A_30 : i1 to i32
      %sign3A_32 = arith.subi %sign3A_28, %sign3A_31 : i32
      %sign3A_33 = arith.constant 0 : i32
      %sign3A_34 = arith.cmpi sgt, %jit3A, %sign3A_33 : i32
      %sign3A_35 = arith.extui %sign3A_34 : i1 to i32
      %sign3A_36 = arith.constant 0 : i32
      %sign3A_37 = arith.cmpi slt, %jit3A, %sign3A_36 : i32
      %sign3A_38 = arith.extui %sign3A_37 : i1 to i32
      %sign3A_39 = arith.subi %sign3A_35, %sign3A_38 : i32
      %ne3A = arith.cmpi ne, %sign3A_32, %sign3A_39 : i32
      %rem3A = arith.remsi %max3A_26, %jit3A : i32
      %ne3A_40 = arith.constant 0 : i32
      %ne3A_41 = arith.cmpi ne, %rem3A, %ne3A_40 : i32
      %and3A = arith.andi %ne3A, %ne3A_41 : i1
      %sub3A_42 = arith.constant 1 : i32
      %sub3A_43 = arith.subi %div3A, %sub3A_42 : i32
      %select_n3A = arith.select %and3A, %sub3A_43, %div3A : i32
      %mul3A_44 = arith.constant 8 : i32
      %mul3A_45 = arith.muli %select_n3A, %mul3A_44 : i32
      %jit3A_46 = arith.constant 0 : i32
      %jit3A_47 = arith.constant 32624 : i32
      %max3A_48 = arith.maxsi %jit3A_46, %mul3A_45 : i32
      %min3A = arith.minsi %jit3A_47, %max3A_48 : i32
      %multiple_of3A_49 = tpu.assume_multiple %min3A, 8 : i32
      %mul3A_50 = arith.constant 176 : i32
      %mul3A_51 = arith.muli %scan3A_21, %mul3A_50 : i32
      %add3A_52 = arith.constant 8 : i32
      %add3A_53 = arith.addi %mul3A_51, %add3A_52 : i32
      %multiple_of3A_54 = tpu.assume_multiple %add3A_53, 8 : i32
      %dma_start3A = tpu.memref_slice %arg7[%multiple_of3A_54] : memref<2816xi32, #tpu.memory_space<vmem>> -> memref<144xi32, #tpu.memory_space<vmem>>
      %dma_start3A_55 = tpu.memref_slice %arg3[%multiple_of3A_49] : memref<32768xi32, #tpu.memory_space<hbm>> -> memref<144xi32, #tpu.memory_space<hbm>>
      %dma_start3A_56 = tpu.memref_slice %arg7[%multiple_of3A_54] : memref<2816xi32, #tpu.memory_space<vmem>> -> memref<144xi32, #tpu.memory_space<vmem>>
      %dma_start3A_57 = tpu.memref_slice %arg3[%multiple_of3A_49] : memref<32768xi32, #tpu.memory_space<hbm>> -> memref<144xi32, #tpu.memory_space<hbm>>
      tpu.enqueue_dma source(%dma_start3A_57 : memref<144xi32, #tpu.memory_space<hbm>>) target(%dma_start3A_56 : memref<144xi32, #tpu.memory_space<vmem>>) target_semaphore(%arg9 : memref<!tpu.dma_semaphore, #tpu.memory_space<semaphore_mem>>)
    }
    %scan3A_7 = arith.constant 16 : i32
    %dma_wait3A = arith.constant 0 : i32
    %dma_wait3A_8 = tpu.memref_slice %arg7[%dma_wait3A] : memref<2816xi32, #tpu.memory_space<vmem>> -> memref<2304xi32, #tpu.memory_space<vmem>>
    %dma_wait3A_9 = arith.constant 0 : i32
    %dma_wait3A_10 = tpu.memref_slice %arg3[%dma_wait3A_9] : memref<32768xi32, #tpu.memory_space<hbm>> -> memref<2304xi32, #tpu.memory_space<hbm>>
    %dma_wait3A_11 = arith.constant 0 : i32
    %dma_wait3A_12 = tpu.memref_slice %arg7[%dma_wait3A_11] : memref<2816xi32, #tpu.memory_space<vmem>> -> memref<2304xi32, #tpu.memory_space<vmem>>
    %dma_wait3A_13 = arith.constant 0 : i32
    %dma_wait3A_14 = tpu.memref_slice %arg3[%dma_wait3A_13] : memref<32768xi32, #tpu.memory_space<hbm>> -> memref<2304xi32, #tpu.memory_space<hbm>>
    tpu.wait_dma2 semaphore(%arg9 : memref<!tpu.dma_semaphore, #tpu.memory_space<semaphore_mem>>) src(%dma_wait3A_14 : memref<2304xi32, #tpu.memory_space<hbm>>) dst(%dma_wait3A_12 : memref<2304xi32, #tpu.memory_space<vmem>>)
    %scan3A_15 = arith.constant 0 : i32
    %scan3A_16 = arith.constant 0 : i32
    %scan3A_17 = arith.constant 16 : i32
    %scan3A_18 = arith.addi %scan3A_16, %scan3A_17 : i32
    %scan3A_19 = arith.constant 1 : i32
    scf.for %scan3A_21 = %scan3A_16 to %scan3A_18 step %scan3A_19  : i32 {
      %get3A = arith.index_cast %scan3A_21 : i32 to index
      %get3A_22 = tpu.vector_load %arg6[%get3A] {strides = array<i32>} : memref<32xi32, #tpu.memory_space<vmem>>, vector<16xi32>,
      %get3A_23 = vector.shape_cast %get3A_22 : vector<16xi32> to vector<16xi32>
      %slice3A = vector.extract_strided_slice %get3A_23 {offsets = [0], sizes = [1], strides = [1]} : vector<16xi32> to vector<1xi32>
      %squeeze3A = vector.extract %slice3A[0] : i32 from vector<1xi32>
      %add3A_24 = arith.constant 1 : i32
      %add3A_25 = arith.addi %scan3A_21, %add3A_24 : i32
      %get3A_26 = arith.index_cast %add3A_25 : i32 to index
      %get3A_27 = tpu.vector_load %arg6[%get3A_26] {strides = array<i32>} : memref<32xi32, #tpu.memory_space<vmem>>, vector<16xi32>,
      %get3A_28 = vector.shape_cast %get3A_27 : vector<16xi32> to vector<16xi32>
      %slice3A_29 = vector.extract_strided_slice %get3A_28 {offsets = [0], sizes = [1], strides = [1]} : vector<16xi32> to vector<1xi32>
      %squeeze3A_30 = vector.extract %slice3A_29[0] : i32 from vector<1xi32>
      %sub3A = arith.subi %squeeze3A_30, %squeeze3A : i32
      %min3A = arith.constant 4096 : i32
      %min3A_31 = arith.minsi %sub3A, %min3A : i32
      %get3A_32 = arith.index_cast %scan3A_21 : i32 to index
      %get3A_33 = tpu.vector_load %arg6[%get3A_32] {strides = array<i32>} : memref<32xi32, #tpu.memory_space<vmem>>, vector<16xi32>,
      %get3A_34 = vector.shape_cast %get3A_33 : vector<16xi32> to vector<16xi32>
      %slice3A_35 = vector.extract_strided_slice %get3A_34 {offsets = [0], sizes = [1], strides = [1]} : vector<16xi32> to vector<1xi32>
      %squeeze3A_36 = vector.extract %slice3A_35[0] : i32 from vector<1xi32>
      %add3A_37 = arith.addi %squeeze3A_36, %multiple_of3A : i32
      %sub3A_38 = arith.constant 1 : i32
      %sub3A_39 = arith.subi %add3A_37, %sub3A_38 : i32
      %max3A = arith.constant 0 : i32
      %max3A_40 = arith.maxsi %sub3A_39, %max3A : i32
      %jit3A = arith.constant 8 : i32
      %div3A = arith.divsi %max3A_40, %jit3A : i32
      %sign3A = arith.constant 0 : i32
      %sign3A_41 = arith.cmpi sgt, %max3A_40, %sign3A : i32
      %sign3A_42 = arith.extui %sign3A_41 : i1 to i32
      %sign3A_43 = arith.constant 0 : i32
      %sign3A_44 = arith.cmpi slt, %max3A_40, %sign3A_43 : i32
      %sign3A_45 = arith.extui %sign3A_44 : i1 to i32
      %sign3A_46 = arith.subi %sign3A_42, %sign3A_45 : i32
      %sign3A_47 = arith.constant 0 : i32
      %sign3A_48 = arith.cmpi sgt, %jit3A, %sign3A_47 : i32
      %sign3A_49 = arith.extui %sign3A_48 : i1 to i32
      %sign3A_50 = arith.constant 0 : i32
      %sign3A_51 = arith.cmpi slt, %jit3A, %sign3A_50 : i32
      %sign3A_52 = arith.extui %sign3A_51 : i1 to i32
      %sign3A_53 = arith.subi %sign3A_49, %sign3A_52 : i32
      %ne3A = arith.cmpi ne, %sign3A_46, %sign3A_53 : i32
      %rem3A = arith.remsi %max3A_40, %jit3A : i32
      %ne3A_54 = arith.constant 0 : i32
      %ne3A_55 = arith.cmpi ne, %rem3A, %ne3A_54 : i32
      %and3A = arith.andi %ne3A, %ne3A_55 : i1
      %sub3A_56 = arith.constant 1 : i32
      %sub3A_57 = arith.subi %div3A, %sub3A_56 : i32
      %select_n3A = arith.select %and3A, %sub3A_57, %div3A : i32
      %mul3A_58 = arith.constant 8 : i32
      %mul3A_59 = arith.muli %select_n3A, %mul3A_58 : i32
      %jit3A_60 = arith.constant 0 : i32
      %jit3A_61 = arith.constant 32624 : i32
      %max3A_62 = arith.maxsi %jit3A_60, %mul3A_59 : i32
      %min3A_63 = arith.minsi %jit3A_61, %max3A_62 : i32
      %multiple_of3A_64 = tpu.assume_multiple %min3A_63, 8 : i32
      %sub3A_65 = arith.subi %sub3A_39, %multiple_of3A_64 : i32
      %add3A_66 = arith.constant 8 : i32
      %add3A_67 = arith.addi %sub3A_65, %add3A_66 : i32
      %scan3A_68 = arith.constant 0 : i32
      %scan3A_69 = arith.constant 0 : i32
      %scan3A_70 = arith.constant 8 : i32
      %scan3A_71 = arith.addi %scan3A_69, %scan3A_70 : i32
      %scan3A_72 = arith.constant 1 : i32
      scf.for %scan3A_85 = %scan3A_69 to %scan3A_71 step %scan3A_72  : i32 {
        %mul3A_86 = arith.constant 16 : i32
        %mul3A_87 = arith.muli %scan3A_85, %mul3A_86 : i32
        %add3A_88 = arith.addi %multiple_of3A, %mul3A_87 : i32
        %add3A_89 = vector.broadcast %add3A_88 : i32 to vector<16xi32>
        %add3A_90 = arith.addi %add3A_89, %iota3A : vector<16xi32>
        %mul3A_91 = arith.constant 176 : i32
        %mul3A_92 = arith.muli %scan3A_21, %mul3A_91 : i32
        %mul3A_93 = arith.constant 16 : i32
        %mul3A_94 = arith.muli %scan3A_85, %mul3A_93 : i32
        %add3A_95 = arith.addi %add3A_67, %mul3A_94 : i32
        %jit3A_96 = arith.constant 0 : i32
        %jit3A_97 = arith.constant 160 : i32
        %max3A_98 = arith.maxsi %jit3A_96, %add3A_95 : i32
        %min3A_99 = arith.minsi %jit3A_97, %max3A_98 : i32
        %add3A_100 = arith.addi %mul3A_92, %min3A_99 : i32
        %get3A_101 = arith.index_cast %add3A_100 : i32 to index
        %get3A_102 = tpu.vector_load %arg7[%get3A_101] {strides = array<i32>} : memref<2816xi32, #tpu.memory_space<vmem>>, vector<16xi32>,
        %get3A_103 = vector.shape_cast %get3A_102 : vector<16xi32> to vector<16xi32>
        %le3A = vector.broadcast %min3A_31 : i32 to vector<16xi32>
        %le3A_104 = arith.cmpi sle, %add3A_90, %le3A : vector<16xi32>
        %jit3A_105 = arith.constant 0 : i32
        %broadcast_in_dim3A = vector.broadcast %jit3A_105 : i32 to vector<16xi32>
        %select_n3A_106 = arith.select %le3A_104, %get3A_103, %broadcast_in_dim3A : vector<16xi1>, vector<16xi32>
        %mul3A_107 = arith.constant 16 : i32
        %mul3A_108 = arith.muli %scan3A_85, %mul3A_107 : i32
        %swap3A = arith.index_cast %scan3A_21 : i32 to index
        %swap3A_109 = arith.index_cast %mul3A_108 : i32 to index
        %swap3A_110 = tpu.vector_load %arg8[%swap3A, %swap3A_109] {strides = array<i32>} : memref<16x128xi32, #tpu.memory_space<vmem>>, vector<1x16xi32>,
        %swap3A_111 = vector.shape_cast %swap3A_110 : vector<1x16xi32> to vector<16xi32>
        %swap3A_112 = vector.shape_cast %select_n3A_106 : vector<16xi32> to vector<1x16xi32>
        tpu.vector_store %arg8[%swap3A, %swap3A_109], %swap3A_112 {strides = array<i32>} : memref<16x128xi32, #tpu.memory_space<vmem>>, vector<1x16xi32>,
      }
      %scan3A_73 = arith.constant 8 : i32
      %add3A_74 = arith.constant 1 : i32
      %add3A_75 = arith.addi %min3A_31, %add3A_74 : i32
      %sub3A_76 = arith.subi %add3A_75, %multiple_of3A : i32
      %ge3A = arith.constant 0 : i32
      %ge3A_77 = arith.cmpi sge, %sub3A_76, %ge3A : i32
      %lt3A = arith.constant 128 : i32
      %lt3A_78 = arith.cmpi slt, %sub3A_76, %lt3A : i32
      %and3A_79 = arith.andi %ge3A_77, %lt3A_78 : i1
      %convert_element_type3A = arith.extui %and3A_79 : i1 to i32
      %cond3A = arith.constant 0 : i32
      %cond3A_80 = arith.cmpi ne, %convert_element_type3A, %cond3A : i32
      scf.if %cond3A_80 {
        %jit3A_85 = arith.constant 16 : i32
        %div3A_86 = arith.divsi %sub3A_76, %jit3A_85 : i32
        %sign3A_87 = arith.constant 0 : i32
        %sign3A_88 = arith.cmpi sgt, %sub3A_76, %sign3A_87 : i32
        %sign3A_89 = arith.extui %sign3A_88 : i1 to i32
        %sign3A_90 = arith.constant 0 : i32
        %sign3A_91 = arith.cmpi slt, %sub3A_76, %sign3A_90 : i32
        %sign3A_92 = arith.extui %sign3A_91 : i1 to i32
        %sign3A_93 = arith.subi %sign3A_89, %sign3A_92 : i32
        %sign3A_94 = arith.constant 0 : i32
        %sign3A_95 = arith.cmpi sgt, %jit3A_85, %sign3A_94 : i32
        %sign3A_96 = arith.extui %sign3A_95 : i1 to i32
        %sign3A_97 = arith.constant 0 : i32
        %sign3A_98 = arith.cmpi slt, %jit3A_85, %sign3A_97 : i32
        %sign3A_99 = arith.extui %sign3A_98 : i1 to i32
        %sign3A_100 = arith.subi %sign3A_96, %sign3A_99 : i32
        %ne3A_101 = arith.cmpi ne, %sign3A_93, %sign3A_100 : i32
        %rem3A_102 = arith.remsi %sub3A_76, %jit3A_85 : i32
        %ne3A_103 = arith.constant 0 : i32
        %ne3A_104 = arith.cmpi ne, %rem3A_102, %ne3A_103 : i32
        %and3A_105 = arith.andi %ne3A_101, %ne3A_104 : i1
        %sub3A_106 = arith.constant 1 : i32
        %sub3A_107 = arith.subi %div3A_86, %sub3A_106 : i32
        %select_n3A_108 = arith.select %and3A_105, %sub3A_107, %div3A_86 : i32
        %mul3A_109 = arith.constant 16 : i32
        %mul3A_110 = arith.muli %select_n3A_108, %mul3A_109 : i32
        %get3A_111 = arith.index_cast %scan3A_21 : i32 to index
        %get3A_112 = arith.index_cast %mul3A_110 : i32 to index
        %get3A_113 = tpu.vector_load %arg8[%get3A_111, %get3A_112] {strides = array<i32>} : memref<16x128xi32, #tpu.memory_space<vmem>>, vector<1x16xi32>,
        %get3A_114 = vector.shape_cast %get3A_113 : vector<1x16xi32> to vector<16xi32>
        %sub3A_115 = arith.subi %sub3A_76, %mul3A_110 : i32
        %eq3A_116 = vector.broadcast %sub3A_115 : i32 to vector<16xi32>
        %eq3A_117 = arith.cmpi eq, %iota3A, %eq3A_116 : vector<16xi32>
        %jit3A_118 = arith.constant 102 : i32
        %broadcast_in_dim3A = vector.broadcast %jit3A_118 : i32 to vector<16xi32>
        %select_n3A_119 = arith.select %eq3A_117, %broadcast_in_dim3A, %get3A_114 : vector<16xi1>, vector<16xi32>
        %swap3A = arith.index_cast %scan3A_21 : i32 to index
        %swap3A_120 = arith.index_cast %mul3A_110 : i32 to index
        %swap3A_121 = tpu.vector_load %arg8[%swap3A, %swap3A_120] {strides = array<i32>} : memref<16x128xi32, #tpu.memory_space<vmem>>, vector<1x16xi32>,
        %swap3A_122 = vector.shape_cast %swap3A_121 : vector<1x16xi32> to vector<16xi32>
        %swap3A_123 = vector.shape_cast %select_n3A_119 : vector<16xi32> to vector<1x16xi32>
        tpu.vector_store %arg8[%swap3A, %swap3A_120], %swap3A_123 {strides = array<i32>} : memref<16x128xi32, #tpu.memory_space<vmem>>, vector<1x16xi32>,
      } else {
      }
      %eq3A = arith.constant 0 : i32
      %eq3A_81 = arith.cmpi eq, %add3A, %eq3A : i32
      %convert_element_type3A_82 = arith.extui %eq3A_81 : i1 to i32
      %cond3A_83 = arith.constant 0 : i32
      %cond3A_84 = arith.cmpi ne, %convert_element_type3A_82, %cond3A_83 : i32
      scf.if %cond3A_84 {
        %get3A_85 = arith.index_cast %scan3A_21 : i32 to index
        %get3A_86 = arith.constant 0 : index
        %get3A_87 = tpu.vector_load %arg8[%get3A_85, %get3A_86] {strides = array<i32>} : memref<16x128xi32, #tpu.memory_space<vmem>>, vector<1x16xi32>,
        %get3A_88 = vector.shape_cast %get3A_87 : vector<1x16xi32> to vector<16xi32>
        %eq3A_89 = arith.constant 0 : i32
        %eq3A_90 = vector.broadcast %eq3A_89 : i32 to vector<16xi32>
        %eq3A_91 = arith.cmpi eq, %iota3A, %eq3A_90 : vector<16xi32>
        %jit3A_92 = arith.constant 101 : i32
        %broadcast_in_dim3A = vector.broadcast %jit3A_92 : i32 to vector<16xi32>
        %select_n3A_93 = arith.select %eq3A_91, %broadcast_in_dim3A, %get3A_88 : vector<16xi1>, vector<16xi32>
        %swap3A = arith.index_cast %scan3A_21 : i32 to index
        %swap3A_94 = arith.constant 0 : index
        %swap3A_95 = tpu.vector_load %arg8[%swap3A, %swap3A_94] {strides = array<i32>} : memref<16x128xi32, #tpu.memory_space<vmem>>, vector<1x16xi32>,
        %swap3A_96 = vector.shape_cast %swap3A_95 : vector<1x16xi32> to vector<16xi32>
        %swap3A_97 = vector.shape_cast %select_n3A_93 : vector<16xi32> to vector<1x16xi32>
        tpu.vector_store %arg8[%swap3A, %swap3A_94], %swap3A_97 {strides = array<i32>} : memref<16x128xi32, #tpu.memory_space<vmem>>, vector<1x16xi32>,
      } else {
      }
    }
    %scan3A_20 = arith.constant 16 : i32
    "tpu.region"() ({
      %run_scoped3A = tpu.sem_alloc : memref<!tpu.dma_semaphore, #tpu.memory_space<semaphore_mem>>
      %dma_start3A = arith.constant 0 : i32
      %dma_start3A_21 = arith.constant 0 : i32
      %dma_start3A_22 = tpu.memref_slice %arg8[%dma_start3A, %dma_start3A_21] : memref<16x128xi32, #tpu.memory_space<vmem>> -> memref<8x128xi32, #tpu.memory_space<vmem>>
      %dma_start3A_23 = arith.constant 0 : i32
      %dma_start3A_24 = tpu.memref_slice %arg5[%dma_start3A_23, %multiple_of3A] : memref<16x4098xi32, #tpu.memory_space<hbm>> -> memref<8x128xi32, #tpu.memory_space<hbm>>
      %dma_start3A_25 = arith.constant 0 : i32
      %dma_start3A_26 = tpu.memref_slice %arg5[%dma_start3A_25, %multiple_of3A] : memref<16x4098xi32, #tpu.memory_space<hbm>> -> memref<8x128xi32, #tpu.memory_space<hbm>>
      %dma_start3A_27 = arith.constant 0 : i32
      %dma_start3A_28 = arith.constant 0 : i32
      %dma_start3A_29 = tpu.memref_slice %arg8[%dma_start3A_27, %dma_start3A_28] : memref<16x128xi32, #tpu.memory_space<vmem>> -> memref<8x128xi32, #tpu.memory_space<vmem>>
      tpu.enqueue_dma source(%dma_start3A_29 : memref<8x128xi32, #tpu.memory_space<vmem>>) target(%dma_start3A_26 : memref<8x128xi32, #tpu.memory_space<hbm>>) target_semaphore(%run_scoped3A : memref<!tpu.dma_semaphore, #tpu.memory_space<semaphore_mem>>)
      %dma_wait3A_30 = arith.constant 0 : i32
      %dma_wait3A_31 = arith.constant 0 : i32
      %dma_wait3A_32 = tpu.memref_slice %arg8[%dma_wait3A_30, %dma_wait3A_31] : memref<16x128xi32, #tpu.memory_space<vmem>> -> memref<8x128xi32, #tpu.memory_space<vmem>>
      %dma_wait3A_33 = arith.constant 0 : i32
      %dma_wait3A_34 = tpu.memref_slice %arg5[%dma_wait3A_33, %multiple_of3A] : memref<16x4098xi32, #tpu.memory_space<hbm>> -> memref<8x128xi32, #tpu.memory_space<hbm>>
      %dma_wait3A_35 = arith.constant 0 : i32
      %dma_wait3A_36 = tpu.memref_slice %arg5[%dma_wait3A_35, %multiple_of3A] : memref<16x4098xi32, #tpu.memory_space<hbm>> -> memref<8x128xi32, #tpu.memory_space<hbm>>
      %dma_wait3A_37 = arith.constant 0 : i32
      %dma_wait3A_38 = arith.constant 0 : i32
      %dma_wait3A_39 = tpu.memref_slice %arg8[%dma_wait3A_37, %dma_wait3A_38] : memref<16x128xi32, #tpu.memory_space<vmem>> -> memref<8x128xi32, #tpu.memory_space<vmem>>
      tpu.wait_dma2 semaphore(%run_scoped3A : memref<!tpu.dma_semaphore, #tpu.memory_space<semaphore_mem>>) src(%dma_wait3A_39 : memref<8x128xi32, #tpu.memory_space<vmem>>) dst(%dma_wait3A_36 : memref<8x128xi32, #tpu.memory_space<hbm>>)
      tpu.yield
    }) : () -> ()
    "tpu.region"() ({
      %run_scoped3A = tpu.sem_alloc : memref<!tpu.dma_semaphore, #tpu.memory_space<semaphore_mem>>
      %dma_start3A = arith.constant 8 : i32
      %dma_start3A_21 = arith.constant 0 : i32
      %dma_start3A_22 = tpu.memref_slice %arg8[%dma_start3A, %dma_start3A_21] : memref<16x128xi32, #tpu.memory_space<vmem>> -> memref<8x128xi32, #tpu.memory_space<vmem>>
      %dma_start3A_23 = arith.constant 8 : i32
      %dma_start3A_24 = tpu.memref_slice %arg5[%dma_start3A_23, %multiple_of3A] : memref<16x4098xi32, #tpu.memory_space<hbm>> -> memref<8x128xi32, #tpu.memory_space<hbm>>
      %dma_start3A_25 = arith.constant 8 : i32
      %dma_start3A_26 = tpu.memref_slice %arg5[%dma_start3A_25, %multiple_of3A] : memref<16x4098xi32, #tpu.memory_space<hbm>> -> memref<8x128xi32, #tpu.memory_space<hbm>>
      %dma_start3A_27 = arith.constant 8 : i32
      %dma_start3A_28 = arith.constant 0 : i32
      %dma_start3A_29 = tpu.memref_slice %arg8[%dma_start3A_27, %dma_start3A_28] : memref<16x128xi32, #tpu.memory_space<vmem>> -> memref<8x128xi32, #tpu.memory_space<vmem>>
      tpu.enqueue_dma source(%dma_start3A_29 : memref<8x128xi32, #tpu.memory_space<vmem>>) target(%dma_start3A_26 : memref<8x128xi32, #tpu.memory_space<hbm>>) target_semaphore(%run_scoped3A : memref<!tpu.dma_semaphore, #tpu.memory_space<semaphore_mem>>)
      %dma_wait3A_30 = arith.constant 8 : i32
      %dma_wait3A_31 = arith.constant 0 : i32
      %dma_wait3A_32 = tpu.memref_slice %arg8[%dma_wait3A_30, %dma_wait3A_31] : memref<16x128xi32, #tpu.memory_space<vmem>> -> memref<8x128xi32, #tpu.memory_space<vmem>>
      %dma_wait3A_33 = arith.constant 8 : i32
      %dma_wait3A_34 = tpu.memref_slice %arg5[%dma_wait3A_33, %multiple_of3A] : memref<16x4098xi32, #tpu.memory_space<hbm>> -> memref<8x128xi32, #tpu.memory_space<hbm>>
      %dma_wait3A_35 = arith.constant 8 : i32
      %dma_wait3A_36 = tpu.memref_slice %arg5[%dma_wait3A_35, %multiple_of3A] : memref<16x4098xi32, #tpu.memory_space<hbm>> -> memref<8x128xi32, #tpu.memory_space<hbm>>
      %dma_wait3A_37 = arith.constant 8 : i32
      %dma_wait3A_38 = arith.constant 0 : i32
      %dma_wait3A_39 = tpu.memref_slice %arg8[%dma_wait3A_37, %dma_wait3A_38] : memref<16x128xi32, #tpu.memory_space<vmem>> -> memref<8x128xi32, #tpu.memory_space<vmem>>
      tpu.wait_dma2 semaphore(%run_scoped3A : memref<!tpu.dma_semaphore, #tpu.memory_space<semaphore_mem>>) src(%dma_wait3A_39 : memref<8x128xi32, #tpu.memory_space<vmem>>) dst(%dma_wait3A_36 : memref<8x128xi32, #tpu.memory_space<hbm>>)
      tpu.yield
    }) : () -> ()
    return
  }
}

</mosaic_0001>

<sc_bundles>
// kernel: kernel.3.cloned.1.call-start
scs
__scs_entry_jumppad:
0x0: {  	(pc) =	sbr.rel $0x88, $3  }
0x1: {  	(tag) =	ssettag $0x0;
	lr =	simm.s32 $0x1  }
0x2: {  	[smem:$0x3F9F] =	sst lr;
	_ =	strace $0xD0000000  }
0x3: {  	_ = 	snop  }
0x4: {  	_ = 	snop  }
0x5: {  	_ = 	snop  }
0x6: {  	_ = 	snop  }
0x7: {  	_ = 	snop  }
__scs_overlays_trampoline_lowered:
0x8: {  	[smem:$0x3FAE] =	sst s0  }
0x9: {  	[smem:$0x3FAF] =	sst s1  }
0xa: {  	[smem:$0x3FB0] =	sst s2  }
0xb: {  	[smem:$0x3FB1] =	sst s3  }
0xc: {  	[smem:$0x3FB2] =	sst s4  }
0xd: {  	[smem:$0x3FB3] =	sst s5  }
0xe: {  	[smem:$0x3FB4] =	sst s6  }
0xf: {  	[smem:$0x3FB5] =	sst s7  }
0x10: {  	[smem:$0x3FB6] =	sst s8  }
0x11: {  	[smem:$0x3FB7] =	sst s9;
	s0 =	simm.s32 @!p0 $0x0  }
0x12: {  	s1 =	sld [smem:$0x3F9D];
	s0 =	simm.s32 @p0 $0x1  }
0x13: {  	[smem:$0x3FB8] =	sst s0;
	s0 =	simm.s32 @!p1 $0x0  }
0x14: {  	s2 =	sld [smem:$0x3F9C];
	s0 =	simm.s32 @p1 $0x1  }
0x15: {  	[smem:$0x3FB9] =	sst s0;
	s0 =	simm.s32 @!p2 $0x0  }
0x16: {  	s3 =	sld [smem:$0x3FDB];
	s0 =	simm.s32 @p2 $0x1  }
0x17: {  	s4 =	simm.s32 $0x1BF5;
	[smem:$0x3FBB] =	sst s0  }
0x18: {  	s0 =	sld [smem:$0x3F9E];
	_ =	swait.ge [sflag:s4], $0x0  }
0x19: {  	s7 =	sld [smem:$0x3F9F]  }
0x1a: {  	s8 =	sadd.s32 $0xFFFFE003, lr  }
0x1b: {  	s9 =	sadd.s32 $0xFFFFFEF7, lr;
	s5 =	simm.s32 $0xFFFFFFFF;
	p2 =	slt.u32 s8, $0xFFFFF086  }
0x1c: {  	p1 =	slt.u32 s9, $0xF7A;
	s5 =	simm.s32 @!p2 $0x0  }
0x1d: {  	s5 =	simm.s32 @p1 $0x1;
	p0 =	seq.s32 s7, s2  }
0x1e: {  	s7 =	smul.u32 @!p0 $0xF7A, s2;
	p2 =	seq.s32 @!p0 s5, $0x0  }
0x1f: {  	s9 =	smul.u32 $0xF7A, s1;
	s8 =	simm.s32 @!p0 $0x1BF5;
	p2 =	por !p2, p0  }
0x20: {  	[sflag:s8] =	ssyncset.s32 @!p0 $0xFFFFF086;
	s6 =	sadd.s32 @!p0 s3, s7;
	s7 =	simm.s32 @!p0 $0x108  }
0x21: {  	s3 =	sadd.s32 s3, s9;
	s6 =	sadd.s32 @!p0 $0x88, s6;
	s7 =	simm.s32 @p2 $0x1082  }
0x22: {  	[simem:s7], [sflag:s8] =	dma.local @!p0 [hbm:s6], $0xF7A  }
0x23: {  	s9 =	sor.u32 $0xD0000000, s2;
	s6 =	simm.s32 $0x108;
	_ =	swait.ge @!p0 [sflag:s8], $0x0  }
0x24: {  	s3 =	sadd.s32 $0x88, s3;
	s6 =	simm.s32 @!p1 $0x1082;
	[sflag:s4] =	ssyncset.s32 $0xFFFFF086  }
0x25: {  	[simem:s6], [sflag:s4] =	dma.local [hbm:s3], $0xF7A  }
0x26: {  	[smem:$0x3F9F] =	sst s1;
	(tag) =	ssettag s2;
	_ =	strace s9  }
0x27: {  	s1 =	sld [smem:$0x3FAF]  }
0x28: {  	s2 =	sld [smem:$0x3FB0]  }
0x29: {  	s4 =	sld [smem:$0x3FB2]  }
0x2a: {  	p0 =	seq.s32 s5, $0x0;
	s5 =	sld [smem:$0x3FB3]  }
0x2b: {  	s6 =	sld [smem:$0x3FB4]  }
0x2c: {  	s7 =	sld [smem:$0x3FB5]  }
0x2d: {  	s3 =	simm.s32 $0x108;
	s8 =	sld [smem:$0x3FB6]  }
0x2e: {  	s3 =	simm.s32 @!p0 $0x1082;
	s9 =	sld [smem:$0x3FB7]  }
0x2f: {  	lr =	sadd.s32 s0, s3;
	s0 =	sld [smem:$0x3FAE]  }
0x30: {  	s3 =	sld [smem:$0x3FB1]  }
0x31: {  	[smem:$0x3FBA] =	sst s10  }
0x32: {  	s10 =	sld [smem:$0x3FB8];
	_ =	sdelay $0x3  }
0x33: {  	p0 =	seq.s32 s10, $0x1;
	s10 =	sld [smem:$0x3FBA];
	_ =	sdelay $0x3  }
0x34: {  	[smem:$0x3FBA] =	sst s10  }
0x35: {  	s10 =	sld [smem:$0x3FB9];
	_ =	sdelay $0x3  }
0x36: {  	p1 =	seq.s32 s10, $0x1;
	s10 =	sld [smem:$0x3FBA];
	_ =	sdelay $0x3  }
0x37: {  	[smem:$0x3FBA] =	sst s10  }
0x38: {  	s10 =	sld [smem:$0x3FBB]  }
0x39: {  	_ = 	snop;
	(pc) =	sbr.ind lr, $3  }
0x3a: {  	_ = 	snop  }
0x3b: {  	_ = 	snop  }
0x3c: {  	p2 =	seq.s32 s10, $0x1;
	s10 =	sld [smem:$0x3FBA]  }
0x3d: {  	_ =	shalt  }
0x3e: {  	_ =	shalt  }
0x3f: {  	_ =	shalt  }
0x40: {  	_ =	shalt  }
0x41: {  	_ =	shalt  }
0x42: {  	_ =	shalt  }
0x43: {  	_ =	shalt  }
0x44: {  	_ =	shalt  }
0x45: {  	_ =	shalt  }
0x46: {  	_ =	shalt  }
0x47: {  	_ =	shalt  }
0x48: {  	_ =	shalt  }
0x49: {  	_ =	shalt  }
0x4a: {  	_ =	shalt  }
0x4b: {  	_ =	shalt  }
0x4c: {  	_ =	shalt  }
0x4d: {  	_ =	shalt  }
0x4e: {  	_ =	shalt  }
0x4f: {  	_ =	shalt  }
0x50: {  	_ =	shalt  }
0x51: {  	_ =	shalt  }
0x52: {  	_ =	shalt  }
0x53: {  	_ =	shalt  }
0x54: {  	_ =	shalt  }
0x55: {  	_ =	shalt  }
0x56: {  	_ =	shalt  }
0x57: {  	_ =	shalt  }
0x58: {  	_ =	shalt  }
0x59: {  	_ =	shalt  }
0x5a: {  	_ =	shalt  }
0x5b: {  	_ =	shalt  }
0x5c: {  	_ =	shalt  }
0x5d: {  	_ =	shalt  }
0x5e: {  	_ =	shalt  }
0x5f: {  	_ =	shalt  }
0x60: {  	_ =	shalt  }
0x61: {  	_ =	shalt  }
0x62: {  	_ =	shalt  }
0x63: {  	_ =	shalt  }
0x64: {  	_ =	shalt  }
0x65: {  	_ =	shalt  }
0x66: {  	_ =	shalt  }
0x67: {  	_ =	shalt  }
0x68: {  	_ =	shalt  }
0x69: {  	_ =	shalt  }
0x6a: {  	_ =	shalt  }
0x6b: {  	_ =	shalt  }
0x6c: {  	_ =	shalt  }
0x6d: {  	_ =	shalt  }
0x6e: {  	_ =	shalt  }
0x6f: {  	_ =	shalt  }
0x70: {  	_ =	shalt  }
0x71: {  	_ =	shalt  }
0x72: {  	_ =	shalt  }
0x73: {  	_ =	shalt  }
0x74: {  	_ =	shalt  }
0x75: {  	_ =	shalt  }
0x76: {  	_ =	shalt  }
0x77: {  	_ =	shalt  }
0x78: {  	_ =	shalt  }
0x79: {  	_ =	shalt  }
0x7a: {  	_ =	shalt  }
0x7b: {  	_ =	shalt  }
0x7c: {  	_ =	shalt  }
0x7d: {  	_ =	shalt  }
0x7e: {  	_ =	shalt  }
0x7f: {  	_ =	shalt  }
0x80: {  	_ =	shalt  }
0x81: {  	_ =	shalt  }
0x82: {  	_ =	shalt  }
0x83: {  	_ =	shalt  }
0x84: {  	_ =	shalt  }
0x85: {  	_ =	shalt  }
0x86: {  	_ =	shalt  }
0x87: {  	_ =	shalt  }
.Lfunc_end0:
.L_simem_size_0:
called_computation_lowered:
.L_overlay_start_0:
0x88: {  	s2 =	sld [smem:$0x3FD9]  }
0x89: {  	s3 =	sld [smem:$0x3FFE];
	_ =	sdelay $0x1  }
0x8a: {  	s1 =	srdreg.scid  }
0x8b: {  	s0 =	sand.u32 $0x1, s1  }
0x8c: {  	s15 =	sshll.u32 s0, $0xA;
	s2 =	sadd.s32 s3, s2  }
0x8d: {  	s2 =	sadd.s32 s2, s15  }
0x8e: {  	[smem:$0x3FC6] =	sst s2  }
0x8f: {  	_ = 	snop  }
0x90: {  	s2 =	sld [smem:$0x3FD0];
	_ =	sdelay $0x1  }
0x91: {  	s16 =	sld [smem:$0x3FC9]  }
0x92: {  	s5 =	simm.s32 $0xA;
	s6 =	simm.s32 $0x10;
	s4 =	sld [smem:$0x3FC8]  }
0x93: {  	[smem:s6], [sflag:s5] =	dma.local [hbm:s2], $0x1  }
0x94: {  	_ =	swait.eq [sflag:s5], $0x1  }
0x95: {  	[sflag:s5] =	ssyncset.done $0x0  }
0x96: {  	[sflag:s5] =	ssyncadd.s32 $0xFFFFFFFF  }
0x97: {  	s17 =	sld [smem:$0x10];
	(tm) =	ssettm $0x1  }
0x98: {  	s18 =	sld [smem:$0x3FFB];
	_ =	sdelay $0x3  }
0x99: {  	_ =	strace s18  }
0x9a: {  	s5 =	sld [smem:$0x3FFC];
	_ =	sdelay $0x3  }
0x9b: {  	_ =	strace s5  }
0x9c: {  	s5 =	sld [smem:$0x3FFD];
	_ =	sdelay $0x3  }
0x9d: {  	_ =	strace s5  }
0x9e: {  	_ =	strace $0x8FFFFFFF  }
0x9f: {  	s19 =	sld [smem:$0x3FDB];
	_ =	sdelay $0x1  }
0xa0: {  	s20 =	simm.s32 $_scs_section_size  }
0xa1: {  	s7 =	simm.s32 $_size__tile_overlayer_lowered;
	s8 =	simm.s32 $_tile_overlayer_lowered  }
0xa2: {  	s23 =	simm.s32 $0x1BFF;
	s22 =	sshll.u32 s8, $0x1;
	s5 =	sadd.s32 s20, s19  }
0xa3: {  	s9 =	simm.s32 $0x0;
	s21 =	sshll.u32 s7, $0x1;
	s7 =	sadd.s32 s22, s5  }
0xa4: {  	[timem:s9], [sflag:s23] =	dma.local [hbm:s7], s21  }
0xa5: {  	_ =	swait.ge [sflag:s23], s21  }
0xa6: {  	s6 =	ssub.s32 $0x0, s21;
	[sflag:s23] =	ssyncset.done $0x0  }
0xa7: {  	[sflag:s23] =	ssyncadd.s32 s6;
	_ =	sdelay $0x1  }
0xa8: {  	s24 =	simm.s32 $0x1B8B  }
0xa9: {  	_ =	swait.ge [sflag:s24], $0x1  }
0xaa: {  	[sflag:s24] =	ssyncset.done $0x0  }
0xab: {  	s25 =	simm.s32 $0x1B8E;
	[sflag:s24] =	ssyncadd.s32 $0xFFFFFFFF  }
0xac: {  	s26 =	simm.s32 $execute0_lowered;
	[smem:$0x3FD2] =	sst s25  }
0xad: {  	s6 =	sshll.u32 s26, $0x1;
	_ =	strace $0x80000046;
	[dreg:$0x1] =	wrdreg $0xFFFFFFFF  }
0xae: {  	s28 =	simm.s32 $_size_execute0_lowered;
	s5 =	sadd.s32 s5, s6;
	[dreg:$0x0] =	wrdreg $0x0  }
0xaf: {  	s6 =	sshll.u32 s28, $0x1;
	[dreg:$0x2] =	wrdreg s5  }
0xb0: {  	[dreg:$0x3] =	wrdreg s6  }
0xb1: {  	[dreg:$0x4] =	wrdreg $0xC0  }
0xb2: {  	_ =	task [dreg:s9], $0x5FFFF  }
0xb3: {  	[dreg:$0x1] =	wrdreg $0xFFFFFFFF  }
0xb4: {  	[dreg:$0x0] =	wrdreg $0x60  }
0xb5: {  	[dreg:$0x2] =	wrdreg s4  }
0xb6: {  	[dreg:$0x3] =	wrdreg s16  }
0xb7: {  	[dreg:$0x4] =	wrdreg s17  }
0xb8: {  	[dreg:$0x5] =	wrdreg $0x9  }
0xb9: {  	_ =	task.clear_ibuf [dreg:s9], $0x6FFFF;
	_ =	strace $0x90000046  }
0xba: {  	s29 =	simm.s32 $0x9;
	_ =	strace $0x80000048  }
0xbb: {  	_ =	swait.ge [sflag:s29], $0x1  }
0xbc: {  	[sflag:s29] =	ssyncadd.s32 $0xFFFFFFFF  }
0xbd: {  	_ =	strace $0x90000048  }
0xbe: {  	_ =	sfence  }
0xbf: {  	s30 =	sld [smem:$0x0];
	_ =	sdelay $0x2  }
0xc0: {  	s31 =	sshll.u32 s1, $0xD;
	s1 =	sshrl.u32 s1, $0x2  }
0xc1: {  	s3 =	sand.u32 $0x4000, s31;
	s1 =	sadd.s32 s1, s30  }
0xc2: {  	s0 =	sor.u32 s3, s0;
	s1 =	sshll.u32 s1, $0x11  }
0xc3: {  	s0 =	sor.u32 s1, s0  }
0xc4: {  	s0 =	sadd.s32 $0x8F2B, s0  }
0xc5: {  	[sflag:s0] =	ssyncadd.remote.s32 $0x1  }
0xc6: {  	_ =	sfence.sel $0xFFFF  }
0xc7: {  	[dreg:$0x0] =	wrdreg $0xFFFFFFFF;
	(pc) =	sbr.abs _section_cstart, $3  }
0xc8: {  	[dreg:$0x1] =	wrdreg $0xFFFFFFFF  }
0xc9: {  	_ =	task.clear_ibuf [dreg:s9], $0x2FFFF;
	_ =	strace $0x9FFFFFFF  }
0xca: {  	(tm) =	ssettm $0x7FFFFFFF  }
0xcb: {  	_ =	shalt  }
tec
execute0_lowered:
.L_overlay_start_1:
0x0: {  	(tag) =	ssettag $0x1  }
0x1: {  	s2 =	rddreg [dreg:$0x0]  }
0x2: {  	s3 =	rddreg [dreg:$0x1]  }
0x3: {  	s7 =	rddreg [dreg:$0x2]  }
0x4: {  	s4 =	srdreg.scid;
	s1 =	stileid.u32  }
0x5: {  	s0 =	rddreg [dreg:$0x3];
	s12 =	simm.s32 $0x1;
	s14 =	simm.s32 $0xF80  }
0x6: {  	s15 =	simm.s32 $0x0;
	s8 =	sand.u32 $0x1, s4;
	s5 =	sshll.u32 s1, $0x1  }
0x7: {  	s4 =	simm.s32 $0x0;
	s10 =	sshll.u32 s1, $0x8;
	s6 =	ssub.s32 $0x2, s8  }
0x8: {  	s13 =	sor.u32 s8, s5;
	[smem:$0x7FF] =	sst s4;
	s11 =	sshll.u32 s8, $0x7  }
0x9: {  	s9 =	sshrl.u32 s6, $0x1;
	s5 =	sshll.u32 s13, $0x7;
	_ =	strace $0x80000047  }
0xa: {  	s10 =	sor.u32 s11, s10;
	s11 =	simm.s32 $0x2;
	p0 =	sne.s32 s13, $0x0  }
0xb: {  	s13 =	simm.s32 $0xB80;
	s9 =	ssub.s32 s6, s9;
	s7 =	sadd.s32 s7, s5  }
0xc: {  	v0 =	vlaneseq.u32;
	s6 =	sadd.s32 $0xFFFFFFFF, s5;
	s8 =	sadd.s32 $0x1080, s7;
	s9 =	smax.u32 s9, $0x1  }
.LBB2_1:
0xd: {  	[tilespmem:s4], [sflag:$0x2] =	stream.linear.gather [hbm4b:s2+s4], $0x11, $0x38;
	[tilespmem:$0x1380] =	vst v63  }
0xe: {  	_ =	swait.ge [sflag:s11], $0x11  }
0xf: {  	[sflag:s11] =	ssyncset.done $0x0  }
0x10: {  	s16 =	simm.s32 $0x0;
	[sflag:s11] =	ssyncadd.s32 $0xFFFFFFEF  }
0x11: {  	v1 =	vld [tilespmem:s16+$0x0];
	_ =	sdelay $0x4  }
0x12: {  	(v2sf) =	vpush v1, $0x0;
	_ =	sdelay $0xe  }
0x13: {  	s29 =	spop (v2sf)  }
0x14: {  	s16 =	sadd.s32 s29, s6  }
0x15: {  	p1 =	sgt.s32 s16, $0x0  }
0x16: {  	p2 =	slt.s32 s16, $0x1;
	s16 =	simm.s32 @!p1 $0x0  }
0x17: {  	s17 =	sand.u32 $0x7, s16  }
0x18: {  	p6 =	sne.s32 s17, $0x0  }
0x19: {  	p1 =	por !p2, !p6  }
0x1a: {  	s17 =	simm.s32 $0xFFFFFFFF;
	p1 =	por !p1, !p1  }
0x1b: {  	s17 =	simm.s32 @!p1 $0x0  }
0x1c: {  	s17 =	sshll.u32 s17, $0x3  }
0x1d: {  	s16 =	sadd.s32 s16, s17  }
0x1e: {  	s16 =	sand.u32 $0xFFFFFFF8, s16  }
0x1f: {  	p1 =	sgt.s32 s16, $0x0  }
0x20: {  	s16 =	simm.s32 @!p1 $0x0  }
0x21: {  	s16 =	smin.u32 s16, $0x7F70  }
0x22: {  	s30 =	sshrl.u32 s16, $0x3  }
0x23: {  	s31 =	simm.s32 $0x1;
	s16 =	simm.s32 $0x88;
	s17 =	sadd.s32 s3, s30  }
0x24: {  	[tilespmem:s16], [sflag:$0x1] =	stream.linear.gather [hbm4b:s17+s4], $0x90, $0x38;
	[tilespmem:$0x1380] =	vst v63  }
0x25: {  	s17 =	simm.s32 $0x8;
	v1 =	vld [tilespmem:s31+$0x0]  }
.LBB2_2:
0x26: {  	p1 =	sne.s32 s17, $0x3C;
	_ =	sdelay $0x3  }
0x27: {  	(v2sf) =	vpush v1, $0x0;
	_ =	sdelay $0xe  }
0x28: {  	s18 =	spop (v2sf)  }
0x29: {  	s18 =	sadd.s32 s18, s6  }
0x2a: {  	p2 =	sgt.s32 s18, $0x0;
	s19 =	smov.u32 s18  }
0x2b: {  	s19 =	simm.s32 @!p2 $0x0  }
0x2c: {  	s20 =	sand.u32 $0x7, s19  }
0x2d: {  	p2 =	slt.s32 s18, $0x1;
	p3 =	sne.s32 s20, $0x0  }
0x2e: {  	p2 =	por !p2, !p3  }
0x2f: {  	s18 =	simm.s32 $0xFFFFFFFF;
	p2 =	por !p2, !p2  }
0x30: {  	s18 =	simm.s32 @!p2 $0x0  }
0x31: {  	s18 =	sshll.u32 s18, $0x3  }
0x32: {  	s18 =	sadd.s32 s19, s18  }
0x33: {  	s18 =	sand.u32 $0xFFFFFFF8, s18  }
0x34: {  	p2 =	sgt.s32 s18, $0x0  }
0x35: {  	s18 =	simm.s32 @!p2 $0x0  }
.Ltmp0:
0x36: {  	s18 =	smin.u32 s18, $0x7F70;
	(pc) =	sbr.rel @p1 .LBB2_2-.Ltmp0, $4  }
0x37: {  	s18 =	sshrl.u32 s18, $0x3  }
0x38: {  	s16 =	sadd.s32 $0xB0, s16;
	s19 =	sshra.s32 s17, $0x2;
	s18 =	sadd.s32 s3, s18  }
0x39: {  	[tilespmem:s16], [sflag:$0x1] =	stream.linear.gather [hbm4b:s18+s4], $0x90, $0x38;
	[tilespmem:$0x1380] =	vst v63  }
0x3a: {  	s17 =	sadd.s32 $0x4, s17;
	v1 =	vld [tilespmem:s19+$0x0]  }
0x3b: {  	_ =	sdelay $0x3  }
0x3c: {  	(v2sf) =	vpush v1, $0x0;
	_ =	sdelay $0xe  }
0x3d: {  	s17 =	spop (v2sf)  }
0x3e: {  	s17 =	sadd.s32 s17, s6  }
0x3f: {  	p1 =	sgt.s32 s17, $0x0  }
0x40: {  	p2 =	slt.s32 s17, $0x1;
	s17 =	simm.s32 @!p1 $0x0  }
0x41: {  	s18 =	sand.u32 $0x7, s17  }
0x42: {  	p6 =	sne.s32 s18, $0x0  }
0x43: {  	p1 =	por !p2, !p6  }
0x44: {  	s18 =	simm.s32 $0xFFFFFFFF;
	p1 =	por !p1, !p1  }
0x45: {  	s18 =	simm.s32 @!p1 $0x0  }
0x46: {  	s18 =	sshll.u32 s18, $0x3  }
0x47: {  	s17 =	sadd.s32 s17, s18  }
0x48: {  	s17 =	sand.u32 $0xFFFFFFF8, s17  }
0x49: {  	p1 =	sgt.s32 s17, $0x0  }
0x4a: {  	s17 =	simm.s32 @!p1 $0x0  }
0x4b: {  	s17 =	smin.u32 s17, $0x7F70  }
0x4c: {  	s17 =	sshrl.u32 s17, $0x3  }
0x4d: {  	s16 =	sadd.s32 $0xB0, s16;
	s17 =	sadd.s32 s3, s17  }
0x4e: {  	[tilespmem:s16], [sflag:$0x1] =	stream.linear.gather [hbm4b:s17+s4], $0x90, $0x38;
	[tilespmem:$0x1380] =	vst v63  }
0x4f: {  	_ =	swait.ge [sflag:s12], $0x900  }
0x50: {  	[sflag:s12] =	ssyncset.done $0x0  }
0x51: {  	s17 =	simm.s32 $0x0;
	s16 =	simm.s32 $0xB80;
	[sflag:s12] =	ssyncadd.s32 $0xFFFFF700  }
.LBB2_4:
0x52: {  	v1 =	vld [tilespmem:s17+$0x0];
	_ =	sdelay $0x4  }
0x53: {  	(v2sf) =	vpush v1, $0x0;
	_ =	sdelay $0xa  }
0x54: {  	v1 =	vld [tilespmem:s17+$0x1];
	_ =	sdelay $0x3  }
0x55: {  	s19 =	spop (v2sf)  }
0x56: {  	s18 =	smov.u32 s17;
	(v2sf) =	vpush v1, $0x0;
	s17 =	sadd.s32 s19, s6  }
0x57: {  	p1 =	sgt.s32 s17, $0x0  }
0x58: {  	p2 =	slt.s32 s17, $0x1;
	s17 =	simm.s32 @!p1 $0x0  }
0x59: {  	s20 =	sand.u32 $0x7, s17  }
0x5a: {  	p6 =	sne.s32 s20, $0x0  }
0x5b: {  	p1 =	por !p2, !p6  }
0x5c: {  	s20 =	simm.s32 $0xFFFFFFFF;
	p1 =	por !p1, !p1  }
0x5d: {  	s20 =	simm.s32 @!p1 $0x0  }
0x5e: {  	s20 =	sshll.u32 s20, $0x3  }
0x5f: {  	s17 =	sadd.s32 s17, s20  }
0x60: {  	s17 =	sand.u32 $0xFFFFFFF8, s17  }
0x61: {  	s31 =	smul.u32 $0x2C0, s18;
	p1 =	sgt.s32 s17, $0x0  }
0x62: {  	s17 =	simm.s32 @!p1 $0x0  }
0x63: {  	s20 =	sshra.s32 s31, $0x2;
	s17 =	smin.u32 s17, $0x7F70  }
0x64: {  	s20 =	sadd.s32 $0x80, s20;
	s21 =	ssub.s32 s19, s17  }
0x65: {  	v1 =	vmov s20;
	s22 =	spop (v2sf);
	s21 =	sadd.s32 $0x7, s21  }
0x66: {  	s23 =	ssub.s32 s22, s19;
	s22 =	sadd.s32 s10, s21  }
0x67: {  	p2 =	sgt.s32 s22, $0x0  }
0x68: {  	s22 =	simm.s32 @!p2 $0x0  }
0x69: {  	s22 =	smin.u32 s22, $0xA0  }
0x6a: {  	s25 =	sadd.s32 $0x10, s10;
	s28 =	simm.s32 $0x80;
	s24 =	simm.s32 $0x0;
	v4 =	vld.idx.msk [tilespmem:v1+s22+$0x0 ss:$0x1], $0xffff  }
0x6b: {  	v2 =	vmov s16;
	s17 =	sadd.s32 $0x1, s18;
	s18 =	sshll.u32 s18, $0x7;
	p1 =	slt.s32 s23, $0x1000  }
0x6c: {  	s20 =	simm.s32 $0x40;
	s18 =	sand.u32 $0x3FFFFF80, s18;
	s23 =	simm.s32 @!p1 $0x1000  }
0x6d: {  	v5 =	vor.u32 s10, v0;
	s19 =	sadd.s32 $0xB80, s18;
	s26 =	sadd.s32 s25, s21;
	v3 =	vmov s23;
	s22 =	smov.u32 s25  }
.LBB2_5:
0x6e: {  	p1 =	sne.s32 s28, $0x1C0;
	p2 =	sgt.s32 s26, $0x0;
	vm0 =	vgt.s32 v5, v3  }
0x6f: {  	s29 =	sshra.s32 s24, $0x2;
	s24 =	smov.u32 s20;
	s26 =	simm.s32 @!p2 $0x0;
	v4 =	vsel vm0, $0x0, v4  }
0x70: {  	s20 =	smov.u32 s28;
	s26 =	smin.u32 s26, $0xA0;
	[tilespmem:v2+s29+$0x0 ss:$0x1] =	vst.idx.msk $0xffff, v4  }
.Ltmp1:
0x71: {  	v4 =	vld.idx.msk [tilespmem:v1+s26+$0x0 ss:$0x1], $0xffff;
	(pc) =	sbr.rel @p1 .LBB2_5-.Ltmp1, $3  }
0x72: {  	_ =	sdelay $0x1  }
0x73: {  	s25 =	sadd.s32 $0x10, s25  }
0x74: {  	s28 =	sadd.s32 $0x40, s28;
	v5 =	vor.u32 s22, v0;
	s22 =	smov.u32 s25;
	s26 =	sadd.s32 s25, s21  }
0x75: {  	s21 =	sadd.s32 $0x1, s23  }
0x76: {  	s23 =	ssub.s32 s21, s5  }
0x77: {  	p1 =	sgt.u32 s23, $0x7F  }
0x78: {  	s25 =	sand.u32 @!p1 $0xF, s21  }
0x79: {  	p4 =	sgt.s32 s26, $0x0;
	vm0 =	vgt.s32 v5, v3;
	p2 =	seq.s32 @!p1 s21, s5;
	p3 =	sne.s32 @!p1 s25, $0x0  }
0x7a: {  	s30 =	sshra.s32 s24, $0x2;
	s26 =	simm.s32 @!p4 $0x0;
	v4 =	vsel vm0, $0x0, v4;
	p2 =	por @!p1 !p2, !p3  }
0x7b: {  	s31 =	smin.u32 s26, $0xA0;
	[tilespmem:v2+s30+$0x0 ss:$0x1] =	vst.idx.msk $0xffff, v4;
	p2 =	por @!p1 !p2, !p2  }
0x7c: {  	v1 =	vld.idx.msk [tilespmem:v1+s31+$0x0 ss:$0x1], $0xffff;
	s21 =	simm.s32 @!p1 $0xFFFFFFFF;
	p2 =	por !p2, p1  }
0x7d: {  	s21 =	simm.s32 @p2 $0x0  }
0x7e: {  	s21 =	sshll.u32 @!p1 s21, $0x4  }
0x7f: {  	v63 =	vor.u32 s22, v0;
	s21 =	sadd.s32 @!p1 s23, s21  }
0x80: {  	vm15 =	vgt.s32 v63, v3;
	s22 =	sand.u32 @!p1 $0xFFFFFF80, s21  }
0x81: {  	s20 =	sshra.s32 s20, $0x2;
	v1 =	vsel vm15, $0x0, v1;
	s24 =	sand.u32 @!p1 $0x70, s21;
	s19 =	sadd.s32 @!p1 s22, s19  }
0x82: {  	[tilespmem:v2+s20+$0x0 ss:$0x1] =	vst.idx.msk $0xffff, v1;
	s19 =	sadd.s32 @!p1 s24, s19  }
0x83: {  	v1 =	vld @!p1 [tilespmem:s19+$0x0]  }
0x84: {  	s20 =	sand.u32 @!p1 $0xFFFFFFF0, s21  }
0x85: {  	s20 =	ssub.s32 @!p1 s23, s20  }
0x86: {  	v3 =	vlaneseq.u32 @!p1;
	v2 =	vmov @!p1 s20  }
0x87: {  	vm0 =	veq.s32 @!p1 v2, v3  }
0x88: {  	v1 =	vsel @!p1 vm0, $0x66, v1  }
0x89: {  	[tilespmem:s19+$0x0] =	vst @!p1 v1  }
0x8a: {  	v1 =	vld @!p0 [tilespmem:s18+$0xB80]  }
0x8b: {  	p1 =	sne.s32 s17, $0x10  }
.Ltmp2:
0x8c: {  	_ = 	snop;
	(pc) =	sbr.rel @p1 .LBB2_4-.Ltmp2, $4  }
0x8d: {  	v2 =	vlaneseq.u32 @!p0  }
0x8e: {  	vm0 =	veq.s32 @!p0 v2, $0x0  }
0x8f: {  	v1 =	vsel @!p0 vm0, $0x65, v1  }
0x90: {  	s16 =	sadd.s32 $0x80, s16;
	[tilespmem:s18+$0xB80] =	vst @!p0 v1  }
0x91: {  	[hbm4b:s7+s4] =	stream.linear.scatter [tilespmem:s13], [sflag:$0x2], $0x400, $0x38;
	[tilespmem:$0x1380] =	vst v63  }
0x92: {  	s15 =	sadd.s32 $0x1, s15;
	_ =	swait.ge [sflag:s11], $0x400  }
0x93: {  	p1 =	sne.s32 s15, s9;
	[sflag:s11] =	ssyncset.done $0x0  }
.Ltmp3:
0x94: {  	[sflag:s11] =	ssyncadd.s32 $0xFFFFFC00;
	(pc) =	sbr.rel @p1 .LBB2_1-.Ltmp3, $4  }
0x95: {  	[hbm4b:s8+s4] =	stream.linear.scatter [tilespmem:s14], [sflag:$0x2], $0x400, $0x38;
	[tilespmem:$0x1380] =	vst v63  }
0x96: {  	_ =	swait.ge [sflag:s11], $0x400  }
0x97: {  	[sflag:s11] =	ssyncset.done $0x0  }
0x98: {  	[sflag:s11] =	ssyncadd.s32 $0xFFFFFC00  }
0x99: {  	_ =	sfence.sel $0x180000  }
0x9a: {  	[bflag:$0x0] =	sbarrier.arrive $0xFFFF  }
0x9b: {  	p0 =	sne.s32 s1, $0x0;
	_ =	strace $0x90000047  }
0x9c: {  	s0 =	sadd.s32 @!p0 $0x100000, s0;
	[bflag:$0x2] =	sbarrier.arrive $0xFFFF  }
0x9d: {  	[sflag:s0] =	ssyncadd.tile.s32 @!p0 $0x1;
	_ =	shalt  }
.Lfunc_end2:
_tile_overlayer_lowered:
.L_overlay_start_2:
0x9e: {  	(tag) =	ssettag $0x2  }
0x9f: {  	s0 =	rddreg [dreg:$0x0];
	s2 =	stileid.u32  }
0xa0: {  	s1 =	rddreg [dreg:$0x1];
	p0 =	sne.s32 s2, $0x0  }
0xa1: {  	s3 =	rddreg [dreg:$0x2];
	[bflag:$0x3] =	sbarrier.arrive $0xFFFF;
	s2 =	simm.s32 @!p0 $0x1C02  }
0xa2: {  	[timem:s3], [sflag:s2] =	dma.local @!p0 [hbm:s0], s1  }
0xa3: {  	s0 =	simm.s32 @!p0 $0x2  }
0xa4: {  	_ =	swait.ge @!p0 [sflag:s0], s1  }
0xa5: {  	s1 =	ssub.s32 @!p0 $0x0, s1;
	[sflag:s0] =	ssyncset.done @!p0 $0x0  }
0xa6: {  	[sflag:s0] =	ssyncadd.s32 @!p0 s1  }
0xa7: {  	[bflag:$0x3] =	sbarrier.arrive $0xFFFF  }
0xa8: {  	_ =	shalt  }

</sc_bundles>
